<compile_context>
chip_gen: v7x
topology: tpu7x:2x2x1
jax: 0.10.2.dev20260603
libtpu: 0.0.44.dev20260713+nightly
codegen_flags: <defaults>
</compile_context>

<pallas_src>
import dataclasses

import jax
import jax.numpy as jnp
from jax.experimental import pallas as pl
from jax.experimental.pallas import tpu as pltpu
from jax.experimental.pallas import tpu_sc as plsc

_SC_COMPILER_PARAMS = pltpu.CompilerParams()
if "needs_layout_passes" in pltpu.CompilerParams.__dataclass_fields__:
    _SC_COMPILER_PARAMS = dataclasses.replace(
        _SC_COMPILER_PARAMS, needs_layout_passes=False)

_B, _N, _C = 8, 4096, 16
_K = _N // 2
_NUM_WORKERS = 32
_WPB = _NUM_WORKERS // _B
_ROWS = _K // _WPB


_CHUNK = 128


def _fps_body(x_ref, y_ref, z_ref, idx_ref):
    x = x_ref[...]
    y = y_ref[...]
    z = z_ref[...]
    iota_f = jax.lax.broadcasted_iota(jnp.int32, (_B, _N), 1).astype(jnp.float32)
    lane = jax.lax.broadcasted_iota(jnp.int32, (_B, _CHUNK), 1)

    neg_inf = jnp.float32(-jnp.inf)
    pos_inf = jnp.float32(jnp.inf)

    min_d0 = jnp.full((_B, _N), jnp.inf, jnp.float32)

    def inner(j, state):
        min_d, buf = state
        m = jnp.max(min_d, axis=1, keepdims=True)
        cand = jnp.where(min_d == m, iota_f, pos_inf)
        sel = jnp.min(cand, axis=1, keepdims=True)
        onehot = iota_f == sel
        px = jnp.max(jnp.where(onehot, x, neg_inf), axis=1, keepdims=True)
        py = jnp.max(jnp.where(onehot, y, neg_inf), axis=1, keepdims=True)
        pz = jnp.max(jnp.where(onehot, z, neg_inf), axis=1, keepdims=True)
        dx = x - px
        dy = y - py
        dz = z - pz
        d = (dx * dx + dz * dz) + dy * dy
        buf = jnp.where(lane == j, sel.astype(jnp.int32), buf)
        return jnp.minimum(min_d, d), buf

    def outer(c, min_d):
        buf = jnp.zeros((_B, _CHUNK), jnp.int32)
        min_d, buf = jax.lax.fori_loop(0, _CHUNK, inner, (min_d, buf),
                                       unroll=8)
        idx_ref[:, pl.ds(pl.multiple_of(c * _CHUNK, _CHUNK), _CHUNK)] = buf
        return min_d

    jax.lax.fori_loop(0, _K // _CHUNK, outer, min_d0)


def _fps_indices(x, y, z):
    return pl.pallas_call(
        _fps_body,
        out_shape=jax.ShapeDtypeStruct((_B, _K), jnp.int32),
    )(x, y, z)


def _sc_gather(points_flat, idx):
    @pl.kernel(
        out_type=jax.ShapeDtypeStruct((_B, _K * _C), points_flat.dtype),
        mesh=plsc.VectorSubcoreMesh(core_axis_name="core",
                                    subcore_axis_name="subcore"),
        compiler_params=_SC_COMPILER_PARAMS,
        scratch_types=[
            pltpu.VMEM((_N * _C,), jnp.float32),
            pltpu.VMEM((_ROWS,), jnp.int32),
            pltpu.VMEM((_ROWS * _C,), jnp.float32),
            pltpu.SemaphoreType.DMA,
        ],
    )
    def gather_kernel(x_hbm, i_hbm, o_hbm, pts_v, idx_v, out_v, sem):
        core = jax.lax.axis_index("core")
        sub = jax.lax.axis_index("subcore")
        wid = core * 16 + sub
        batch = wid // _WPB
        slot = wid % _WPB

        pltpu.async_copy(x_hbm.at[batch], pts_v, sem).wait()
        pltpu.async_copy(i_hbm.at[batch, pl.ds(slot * _ROWS, _ROWS)],
                         idx_v, sem).wait()

        lane = jax.lax.iota(jnp.int32, 16)

        @pl.loop(0, _ROWS)
        def _(j):
            bidx = plsc.load_gather(idx_v, [jnp.full((16,), j, jnp.int32)])
            row = plsc.load_gather(pts_v, [bidx * _C + lane])
            out_v[pl.ds(j * _C, _C)] = row

        pltpu.async_copy(out_v,
                         o_hbm.at[batch, pl.ds(slot * _ROWS * _C, _ROWS * _C)],
                         sem).wait()

    return gather_kernel(points_flat, idx)


def kernel(xyz):
    B, N, C = xyz.shape
    x = xyz[:, :, 0]
    y = xyz[:, :, 1]
    z = xyz[:, :, 2]
    idx = _fps_indices(x, y, z)
    gathered = _sc_gather(xyz.reshape(B, N * C), idx)
    return gathered.reshape(B, _K, C)

# --- scband reference (transcript-rebuilt; emitter-appended) ---
"""Pipeline reference for scband-point-interp-conv-52226802319828 (READ-ONLY COPY).

The authoritative reference and input builder live on the scoring server;
editing this copy changes nothing except your own understanding.
"""

import jax, jax.numpy as jnp
import numpy as np


def _fps_single(pts, k):
    # pts: [N, 3]; greedy farthest point sampling, deterministic start at index 0
    n = pts.shape[0]
    start = jnp.int32(0)
    min_d = jnp.sum((pts[start] - pts) ** 2, axis=-1)
    indices = jnp.zeros((k,), dtype=jnp.int32).at[0].set(start)

    def body(i, state):
        indices, min_d = state
        nxt = jnp.argmax(min_d).astype(jnp.int32)
        d = jnp.sum((pts[nxt] - pts) ** 2, axis=-1)
        min_d = jnp.minimum(min_d, d)
        indices = indices.at[i].set(nxt)
        return (indices, min_d)

    indices, _ = jax.lax.fori_loop(1, k, body, (indices, min_d))
    return indices


def _index_points(points, idx):
    # points: [B, N, C], idx: [B, K] -> [B, K, C]
    B = points.shape[0]
    return points[jnp.arange(B)[:, None], idx]


def setup_inputs(seed: int = 0) -> dict:
    key = jax.random.key(seed)
    xyz = jax.random.normal(key, (8, 4096, 16), dtype=jnp.float32)
    return {"xyz": xyz}


def reference(xyz):
    B, N, C = xyz.shape
    l0_xyz = xyz[:, :, :3]
    l0_points = xyz[:, :, 3:]
    k = N // 2
    kernel_idx = jax.vmap(lambda p: _fps_single(p, k))(l0_xyz)
    kernal_xyz = _index_points(l0_xyz, kernel_idx)
    kernal_points = _index_points(l0_points, kernel_idx)
    kernal = jnp.concatenate((kernal_xyz, kernal_points), axis=2)
    return kernal

if __name__ == "__main__":
    import jax
    _d = setup_inputs()
    print(jax.jit(kernel)(*tuple(_d.values())))

</pallas_src>

<mosaic_0001>
#map = affine_map<(d0, d1) -> (0, 0)>
module attributes {stable_mosaic.version = 14 : i64} {
  func.func @gather_kernel(%arg0: i32, %arg1: i32, %arg2: memref<8x65536xf32, #tpu.memory_space<hbm>>, %arg3: memref<8x2048xi32, #tpu.memory_space<hbm>>, %arg4: memref<8x32768xf32, #tpu.memory_space<hbm>>, %arg5: memref<65536xf32, #tpu.memory_space<vmem>>, %arg6: memref<512xi32, #tpu.memory_space<vmem>>, %arg7: memref<8192xf32, #tpu.memory_space<vmem>>, %arg8: memref<!tpu.dma_semaphore, #tpu.memory_space<semaphore_mem>>) attributes {dimension_semantics = [#tpu.dimension_semantics<core_parallel>, #tpu.dimension_semantics<subcore_parallel>], iteration_bounds = array<i64: 2, 16>, scalar_prefetch = 0 : i64, scratch_operands = 4 : i64, tpu.core_type = #tpu.core_type<sc_vector_subcore>, window_params = [{transform_indices = #map}, {transform_indices = #map}, {transform_indices = #map}]} {
    %mul3A = arith.constant 16 : i32
    %mul3A_0 = arith.muli %arg0, %mul3A : i32
    %add3A = arith.addi %mul3A_0, %arg1 : i32
    %jit3A = arith.constant 4 : i32
    %div3A = arith.divsi %add3A, %jit3A : i32
    %sign3A = arith.constant 0 : i32
    %sign3A_1 = arith.cmpi sgt, %add3A, %sign3A : i32
    %sign3A_2 = arith.extui %sign3A_1 : i1 to i32
    %sign3A_3 = arith.constant 0 : i32
    %sign3A_4 = arith.cmpi slt, %add3A, %sign3A_3 : i32
    %sign3A_5 = arith.extui %sign3A_4 : i1 to i32
    %sign3A_6 = arith.subi %sign3A_2, %sign3A_5 : i32
    %sign3A_7 = arith.constant 0 : i32
    %sign3A_8 = arith.cmpi sgt, %jit3A, %sign3A_7 : i32
    %sign3A_9 = arith.extui %sign3A_8 : i1 to i32
    %sign3A_10 = arith.constant 0 : i32
    %sign3A_11 = arith.cmpi slt, %jit3A, %sign3A_10 : i32
    %sign3A_12 = arith.extui %sign3A_11 : i1 to i32
    %sign3A_13 = arith.subi %sign3A_9, %sign3A_12 : i32
    %ne3A = arith.cmpi ne, %sign3A_6, %sign3A_13 : i32
    %rem3A = arith.remsi %add3A, %jit3A : i32
    %ne3A_14 = arith.constant 0 : i32
    %ne3A_15 = arith.cmpi ne, %rem3A, %ne3A_14 : i32
    %and3A = arith.andi %ne3A, %ne3A_15 : i1
    %sub3A = arith.constant 1 : i32
    %sub3A_16 = arith.subi %div3A, %sub3A : i32
    %select_n3A = arith.select %and3A, %sub3A_16, %div3A : i32
    %jit3A_17 = arith.constant 4 : i32
    %eq3A = arith.constant 0 : i32
    %eq3A_18 = arith.cmpi eq, %jit3A_17, %eq3A : i32
    %jit3A_19 = arith.constant 1 : i32
    %select_n3A_20 = arith.select %eq3A_18, %jit3A_19, %jit3A_17 : i32
    %rem3A_21 = arith.remsi %add3A, %select_n3A_20 : i32
    %ne3A_22 = arith.constant 0 : i32
    %ne3A_23 = arith.cmpi ne, %rem3A_21, %ne3A_22 : i32
    %lt3A = arith.constant 0 : i32
    %lt3A_24 = arith.cmpi slt, %rem3A_21, %lt3A : i32
    %lt3A_25 = arith.constant 0 : i32
    %lt3A_26 = arith.cmpi slt, %select_n3A_20, %lt3A_25 : i32
    %ne3A_27 = arith.xori %lt3A_24, %lt3A_26 : i1
    %and3A_28 = arith.andi %ne3A_27, %ne3A_23 : i1
    %add3A_29 = arith.addi %rem3A_21, %select_n3A_20 : i32
    %select_n3A_30 = arith.select %and3A_28, %add3A_29, %rem3A_21 : i32
    %dma_start3A = arith.constant 0 : i32
    %dma_start3A_31 = tpu.memref_slice %arg2[%select_n3A, %dma_start3A] : memref<8x65536xf32, #tpu.memory_space<hbm>> -> memref<1x65536xf32, #tpu.memory_space<hbm>>
    %dma_start3A_32 = tpu.memref_squeeze %dma_start3A_31 : memref<1x65536xf32, #tpu.memory_space<hbm>> -> memref<65536xf32, #tpu.memory_space<hbm>>
    %dma_start3A_33 = arith.constant 0 : i32
    %dma_start3A_34 = tpu.memref_slice %arg2[%select_n3A, %dma_start3A_33] : memref<8x65536xf32, #tpu.memory_space<hbm>> -> memref<1x65536xf32, #tpu.memory_space<hbm>>
    %dma_start3A_35 = tpu.memref_squeeze %dma_start3A_34 : memref<1x65536xf32, #tpu.memory_space<hbm>> -> memref<65536xf32, #tpu.memory_space<hbm>>
    tpu.enqueue_dma source(%dma_start3A_35 : memref<65536xf32, #tpu.memory_space<hbm>>) target(%arg5 : memref<65536xf32, #tpu.memory_space<vmem>>) target_semaphore(%arg8 : memref<!tpu.dma_semaphore, #tpu.memory_space<semaphore_mem>>)
    %dma_wait3A = arith.constant 0 : i32
    %dma_wait3A_36 = tpu.memref_slice %arg2[%select_n3A, %dma_wait3A] : memref<8x65536xf32, #tpu.memory_space<hbm>> -> memref<1x65536xf32, #tpu.memory_space<hbm>>
    %dma_wait3A_37 = tpu.memref_squeeze %dma_wait3A_36 : memref<1x65536xf32, #tpu.memory_space<hbm>> -> memref<65536xf32, #tpu.memory_space<hbm>>
    %dma_wait3A_38 = arith.constant 0 : i32
    %dma_wait3A_39 = tpu.memref_slice %arg2[%select_n3A, %dma_wait3A_38] : memref<8x65536xf32, #tpu.memory_space<hbm>> -> memref<1x65536xf32, #tpu.memory_space<hbm>>
    %dma_wait3A_40 = tpu.memref_squeeze %dma_wait3A_39 : memref<1x65536xf32, #tpu.memory_space<hbm>> -> memref<65536xf32, #tpu.memory_space<hbm>>
    tpu.wait_dma2 semaphore(%arg8 : memref<!tpu.dma_semaphore, #tpu.memory_space<semaphore_mem>>) src(%dma_wait3A_40 : memref<65536xf32, #tpu.memory_space<hbm>>) dst(%arg5 : memref<65536xf32, #tpu.memory_space<vmem>>)
    %mul3A_41 = arith.constant 512 : i32
    %mul3A_42 = arith.muli %select_n3A_30, %mul3A_41 : i32
    %dma_start3A_43 = tpu.memref_slice %arg3[%select_n3A, %mul3A_42] : memref<8x2048xi32, #tpu.memory_space<hbm>> -> memref<1x512xi32, #tpu.memory_space<hbm>>
    %dma_start3A_44 = tpu.memref_squeeze %dma_start3A_43 : memref<1x512xi32, #tpu.memory_space<hbm>> -> memref<512xi32, #tpu.memory_space<hbm>>
    %dma_start3A_45 = tpu.memref_slice %arg3[%select_n3A, %mul3A_42] : memref<8x2048xi32, #tpu.memory_space<hbm>> -> memref<1x512xi32, #tpu.memory_space<hbm>>
    %dma_start3A_46 = tpu.memref_squeeze %dma_start3A_45 : memref<1x512xi32, #tpu.memory_space<hbm>> -> memref<512xi32, #tpu.memory_space<hbm>>
    tpu.enqueue_dma source(%dma_start3A_46 : memref<512xi32, #tpu.memory_space<hbm>>) target(%arg6 : memref<512xi32, #tpu.memory_space<vmem>>) target_semaphore(%arg8 : memref<!tpu.dma_semaphore, #tpu.memory_space<semaphore_mem>>)
    %dma_wait3A_47 = tpu.memref_slice %arg3[%select_n3A, %mul3A_42] : memref<8x2048xi32, #tpu.memory_space<hbm>> -> memref<1x512xi32, #tpu.memory_space<hbm>>
    %dma_wait3A_48 = tpu.memref_squeeze %dma_wait3A_47 : memref<1x512xi32, #tpu.memory_space<hbm>> -> memref<512xi32, #tpu.memory_space<hbm>>
    %dma_wait3A_49 = tpu.memref_slice %arg3[%select_n3A, %mul3A_42] : memref<8x2048xi32, #tpu.memory_space<hbm>> -> memref<1x512xi32, #tpu.memory_space<hbm>>
    %dma_wait3A_50 = tpu.memref_squeeze %dma_wait3A_49 : memref<1x512xi32, #tpu.memory_space<hbm>> -> memref<512xi32, #tpu.memory_space<hbm>>
    tpu.wait_dma2 semaphore(%arg8 : memref<!tpu.dma_semaphore, #tpu.memory_space<semaphore_mem>>) src(%dma_wait3A_50 : memref<512xi32, #tpu.memory_space<hbm>>) dst(%arg6 : memref<512xi32, #tpu.memory_space<vmem>>)
    %iota3A = tpu.iota {dimensions = array<i32: 0>} : vector<16xi32>
    %scan3A = arith.constant 0 : i32
    %scan3A_51 = arith.constant 512 : i32
    %scan3A_52 = arith.addi %scan3A, %scan3A_51 : i32
    %scan3A_53 = arith.constant 1 : i32
    scf.for %scan3A_67 = %scan3A to %scan3A_52 step %scan3A_53  : i32 {
      %mul3A_68 = arith.constant 1 : i32
      %mul3A_69 = arith.muli %scan3A_67, %mul3A_68 : i32
      %add3A_70 = arith.constant 0 : i32
      %add3A_71 = arith.addi %add3A_70, %mul3A_69 : i32
      %broadcast_in_dim3A = vector.broadcast %add3A_71 : i32 to vector<16xi32>
      %gather3A = tpu.vector_load_idx %arg6[%broadcast_in_dim3A] : memref<512xi32, #tpu.memory_space<vmem>>[vector<16xi32>], vector<16xi32>,
      %mul3A_72 = arith.constant 16 : i32
      %mul3A_73 = vector.broadcast %mul3A_72 : i32 to vector<16xi32>
      %mul3A_74 = arith.muli %gather3A, %mul3A_73 : vector<16xi32>
      %add3A_75 = arith.addi %mul3A_74, %iota3A : vector<16xi32>
      %gather3A_76 = tpu.vector_load_idx %arg5[%add3A_75] : memref<65536xf32, #tpu.memory_space<vmem>>[vector<16xi32>], vector<16xf32>,
      %mul3A_77 = arith.constant 16 : i32
      %mul3A_78 = arith.muli %add3A_71, %mul3A_77 : i32
      %swap3A = arith.index_cast %mul3A_78 : i32 to index
      %swap3A_79 = tpu.vector_load %arg7[%swap3A] {strides = array<i32>} : memref<8192xf32, #tpu.memory_space<vmem>>, vector<16xf32>,
      tpu.vector_store %arg7[%swap3A], %gather3A_76 {strides = array<i32>} : memref<8192xf32, #tpu.memory_space<vmem>>, vector<16xf32>,
    }
    %scan3A_54 = arith.constant 512 : i32
    %mul3A_55 = arith.constant 512 : i32
    %mul3A_56 = arith.muli %select_n3A_30, %mul3A_55 : i32
    %mul3A_57 = arith.constant 16 : i32
    %mul3A_58 = arith.muli %mul3A_56, %mul3A_57 : i32
    %dma_start3A_59 = tpu.memref_slice %arg4[%select_n3A, %mul3A_58] : memref<8x32768xf32, #tpu.memory_space<hbm>> -> memref<1x8192xf32, #tpu.memory_space<hbm>>
    %dma_start3A_60 = tpu.memref_squeeze %dma_start3A_59 : memref<1x8192xf32, #tpu.memory_space<hbm>> -> memref<8192xf32, #tpu.memory_space<hbm>>
    %dma_start3A_61 = tpu.memref_slice %arg4[%select_n3A, %mul3A_58] : memref<8x32768xf32, #tpu.memory_space<hbm>> -> memref<1x8192xf32, #tpu.memory_space<hbm>>
    %dma_start3A_62 = tpu.memref_squeeze %dma_start3A_61 : memref<1x8192xf32, #tpu.memory_space<hbm>> -> memref<8192xf32, #tpu.memory_space<hbm>>
    tpu.enqueue_dma source(%arg7 : memref<8192xf32, #tpu.memory_space<vmem>>) target(%dma_start3A_62 : memref<8192xf32, #tpu.memory_space<hbm>>) target_semaphore(%arg8 : memref<!tpu.dma_semaphore, #tpu.memory_space<semaphore_mem>>)
    %dma_wait3A_63 = tpu.memref_slice %arg4[%select_n3A, %mul3A_58] : memref<8x32768xf32, #tpu.memory_space<hbm>> -> memref<1x8192xf32, #tpu.memory_space<hbm>>
    %dma_wait3A_64 = tpu.memref_squeeze %dma_wait3A_63 : memref<1x8192xf32, #tpu.memory_space<hbm>> -> memref<8192xf32, #tpu.memory_space<hbm>>
    %dma_wait3A_65 = tpu.memref_slice %arg4[%select_n3A, %mul3A_58] : memref<8x32768xf32, #tpu.memory_space<hbm>> -> memref<1x8192xf32, #tpu.memory_space<hbm>>
    %dma_wait3A_66 = tpu.memref_squeeze %dma_wait3A_65 : memref<1x8192xf32, #tpu.memory_space<hbm>> -> memref<8192xf32, #tpu.memory_space<hbm>>
    tpu.wait_dma2 semaphore(%arg8 : memref<!tpu.dma_semaphore, #tpu.memory_space<semaphore_mem>>) src(%arg7 : memref<8192xf32, #tpu.memory_space<vmem>>) dst(%dma_wait3A_66 : memref<8192xf32, #tpu.memory_space<hbm>>)
    return
  }
}

module attributes {stable_mosaic.version = 14 : i64} {
  func.func @_fps_body(%arg0: memref<8x4096xf32, #tpu.memory_space<vmem>>, %arg1: memref<8x4096xf32, #tpu.memory_space<vmem>>, %arg2: memref<8x4096xf32, #tpu.memory_space<vmem>>, %arg3: memref<8x2048xi32, #tpu.memory_space<vmem>>) attributes {dimension_semantics = [], scalar_prefetch = 0 : i64, scratch_operands = 0 : i64, tpu.core_type = #tpu.core_type<tc>} {
    %get3A = arith.constant 0 : index
    %get3A_0 = arith.constant 0 : index
    %get3A_1 = vector.load %arg0[%get3A, %get3A_0] : memref<8x4096xf32, #tpu.memory_space<vmem>>, vector<8x4096xf32>
    %get3A_2 = arith.constant 0 : index
    %get3A_3 = arith.constant 0 : index
    %get3A_4 = vector.load %arg1[%get3A_2, %get3A_3] : memref<8x4096xf32, #tpu.memory_space<vmem>>, vector<8x4096xf32>
    %get3A_5 = arith.constant 0 : index
    %get3A_6 = arith.constant 0 : index
    %get3A_7 = vector.load %arg2[%get3A_5, %get3A_6] : memref<8x4096xf32, #tpu.memory_space<vmem>>, vector<8x4096xf32>
    %iota3A = tpu.iota {dimensions = array<i32: 1>} : vector<8x4096xi32>
    %convert_element_type3A = arith.sitofp %iota3A : vector<8x4096xi32> to vector<8x4096xf32>
    %iota3A_8 = tpu.iota {dimensions = array<i32: 1>} : vector<8x128xi32>
    %broadcast_in_dim3A = arith.constant 0x7F800000 : f32
    %broadcast_in_dim3A_9 = vector.broadcast %broadcast_in_dim3A : f32 to vector<8x4096xf32>
    %scan3A = arith.constant 0x7F800000 : f32
    %scan3A_10 = arith.constant 0xFF800000 : f32
    %scan3A_11 = arith.constant 0 : i32
    %scan3A_12 = arith.constant 16 : i32
    %scan3A_13 = arith.addi %scan3A_11, %scan3A_12 : i32
    %scan3A_14 = arith.constant 1 : i32
    %scan3A_15 = scf.for %scan3A_17 = %scan3A_11 to %scan3A_13 step %scan3A_14 iter_args(%scan3A_18 = %broadcast_in_dim3A_9) -> (vector<8x4096xf32>)  : i32 {
      %broadcast_in_dim3A_19 = arith.constant 0 : i32
      %broadcast_in_dim3A_20 = vector.broadcast %broadcast_in_dim3A_19 : i32 to vector<8x128xi32>
      %scan3A_21 = arith.constant 0 : i32
      %scan3A_22 = arith.constant 128 : i32
      %scan3A_23 = arith.addi %scan3A_21, %scan3A_22 : i32
      %scan3A_24 = arith.constant 8 : i32
      %scan3A_25:2 = scf.for %scan3A_30 = %scan3A_21 to %scan3A_23 step %scan3A_24 iter_args(%scan3A_31 = %scan3A_18, %scan3A_32 = %broadcast_in_dim3A_20) -> (vector<8x4096xf32>, vector<8x128xi32>)  : i32 {
        %reduce_max3A = arith.constant dense<0xFF800000> : vector<8xf32>
        %reduce_max3A_33 = vector.multi_reduction <maximumf>, %scan3A_31, %reduce_max3A [1] : vector<8x4096xf32> to vector<8xf32>
        %broadcast_in_dim3A_34 = vector.shape_cast %reduce_max3A_33 : vector<8xf32> to vector<8x1xf32>
        %eq3A = vector.broadcast %broadcast_in_dim3A_34 : vector<8x1xf32> to vector<8x4096xf32>
        %eq3A_35 = arith.cmpf oeq, %scan3A_31, %eq3A : vector<8x4096xf32>
        %broadcast_in_dim3A_36 = vector.broadcast %scan3A : f32 to vector<8x4096xf32>
        %select_n3A = arith.select %eq3A_35, %convert_element_type3A, %broadcast_in_dim3A_36 : vector<8x4096xi1>, vector<8x4096xf32>
        %reduce_min3A = arith.constant dense<0x7F800000> : vector<8xf32>
        %reduce_min3A_37 = vector.multi_reduction <minimumf>, %select_n3A, %reduce_min3A [1] : vector<8x4096xf32> to vector<8xf32>
        %broadcast_in_dim3A_38 = vector.shape_cast %reduce_min3A_37 : vector<8xf32> to vector<8x1xf32>
        %eq3A_39 = vector.broadcast %broadcast_in_dim3A_38 : vector<8x1xf32> to vector<8x4096xf32>
        %eq3A_40 = arith.cmpf oeq, %convert_element_type3A, %eq3A_39 : vector<8x4096xf32>
        %broadcast_in_dim3A_41 = vector.broadcast %scan3A_10 : f32 to vector<8x4096xf32>
        %select_n3A_42 = arith.select %eq3A_40, %get3A_1, %broadcast_in_dim3A_41 : vector<8x4096xi1>, vector<8x4096xf32>
        %reduce_max3A_43 = arith.constant dense<0xFF800000> : vector<8xf32>
        %reduce_max3A_44 = vector.multi_reduction <maximumf>, %select_n3A_42, %reduce_max3A_43 [1] : vector<8x4096xf32> to vector<8xf32>
        %broadcast_in_dim3A_45 = vector.shape_cast %reduce_max3A_44 : vector<8xf32> to vector<8x1xf32>
        %broadcast_in_dim3A_46 = vector.broadcast %scan3A_10 : f32 to vector<8x4096xf32>
        %select_n3A_47 = arith.select %eq3A_40, %get3A_4, %broadcast_in_dim3A_46 : vector<8x4096xi1>, vector<8x4096xf32>
        %reduce_max3A_48 = arith.constant dense<0xFF800000> : vector<8xf32>
        %reduce_max3A_49 = vector.multi_reduction <maximumf>, %select_n3A_47, %reduce_max3A_48 [1] : vector<8x4096xf32> to vector<8xf32>
        %broadcast_in_dim3A_50 = vector.shape_cast %reduce_max3A_49 : vector<8xf32> to vector<8x1xf32>
        %broadcast_in_dim3A_51 = vector.broadcast %scan3A_10 : f32 to vector<8x4096xf32>
        %select_n3A_52 = arith.select %eq3A_40, %get3A_7, %broadcast_in_dim3A_51 : vector<8x4096xi1>, vector<8x4096xf32>
        %reduce_max3A_53 = arith.constant dense<0xFF800000> : vector<8xf32>
        %reduce_max3A_54 = vector.multi_reduction <maximumf>, %select_n3A_52, %reduce_max3A_53 [1] : vector<8x4096xf32> to vector<8xf32>
        %broadcast_in_dim3A_55 = vector.shape_cast %reduce_max3A_54 : vector<8xf32> to vector<8x1xf32>
        %sub3A = vector.broadcast %broadcast_in_dim3A_45 : vector<8x1xf32> to vector<8x4096xf32>
        %sub3A_56 = arith.subf %get3A_1, %sub3A : vector<8x4096xf32>
        %sub3A_57 = vector.broadcast %broadcast_in_dim3A_50 : vector<8x1xf32> to vector<8x4096xf32>
        %sub3A_58 = arith.subf %get3A_4, %sub3A_57 : vector<8x4096xf32>
        %sub3A_59 = vector.broadcast %broadcast_in_dim3A_55 : vector<8x1xf32> to vector<8x4096xf32>
        %sub3A_60 = arith.subf %get3A_7, %sub3A_59 : vector<8x4096xf32>
        %mul3A_61 = arith.mulf %sub3A_56, %sub3A_56 : vector<8x4096xf32>
        %mul3A_62 = arith.mulf %sub3A_60, %sub3A_60 : vector<8x4096xf32>
        %add3A = arith.addf %mul3A_61, %mul3A_62 : vector<8x4096xf32>
        %mul3A_63 = arith.mulf %sub3A_58, %sub3A_58 : vector<8x4096xf32>
        %add3A_64 = arith.addf %add3A, %mul3A_63 : vector<8x4096xf32>
        %eq3A_65 = vector.broadcast %scan3A_30 : i32 to vector<8x128xi32>
        %eq3A_66 = arith.cmpi eq, %iota3A_8, %eq3A_65 : vector<8x128xi32>
        %convert_element_type3A_67 = arith.fptosi %broadcast_in_dim3A_38 : vector<8x1xf32> to vector<8x1xi32>
        %broadcast_in_dim3A_68 = vector.shape_cast %convert_element_type3A_67 : vector<8x1xi32> to vector<8x1xi32>
        %broadcast_in_dim3A_69 = vector.broadcast %broadcast_in_dim3A_68 : vector<8x1xi32> to vector<8x128xi32>
        %select_n3A_70 = arith.select %eq3A_66, %broadcast_in_dim3A_69, %scan3A_32 : vector<8x128xi1>, vector<8x128xi32>
        %min3A = arith.minimumf %scan3A_31, %add3A_64 : vector<8x4096xf32>
        %scan3A_71 = arith.constant 1 : i32
        %scan3A_72 = arith.addi %scan3A_30, %scan3A_71 : i32
        %reduce_max3A_73 = arith.constant dense<0xFF800000> : vector<8xf32>
        %reduce_max3A_74 = vector.multi_reduction <maximumf>, %min3A, %reduce_max3A_73 [1] : vector<8x4096xf32> to vector<8xf32>
        %broadcast_in_dim3A_75 = vector.shape_cast %reduce_max3A_74 : vector<8xf32> to vector<8x1xf32>
        %eq3A_76 = vector.broadcast %broadcast_in_dim3A_75 : vector<8x1xf32> to vector<8x4096xf32>
        %eq3A_77 = arith.cmpf oeq, %min3A, %eq3A_76 : vector<8x4096xf32>
        %broadcast_in_dim3A_78 = vector.broadcast %scan3A : f32 to vector<8x4096xf32>
        %select_n3A_79 = arith.select %eq3A_77, %convert_element_type3A, %broadcast_in_dim3A_78 : vector<8x4096xi1>, vector<8x4096xf32>
        %reduce_min3A_80 = arith.constant dense<0x7F800000> : vector<8xf32>
        %reduce_min3A_81 = vector.multi_reduction <minimumf>, %select_n3A_79, %reduce_min3A_80 [1] : vector<8x4096xf32> to vector<8xf32>
        %broadcast_in_dim3A_82 = vector.shape_cast %reduce_min3A_81 : vector<8xf32> to vector<8x1xf32>
        %eq3A_83 = vector.broadcast %broadcast_in_dim3A_82 : vector<8x1xf32> to vector<8x4096xf32>
        %eq3A_84 = arith.cmpf oeq, %convert_element_type3A, %eq3A_83 : vector<8x4096xf32>
        %broadcast_in_dim3A_85 = vector.broadcast %scan3A_10 : f32 to vector<8x4096xf32>
        %select_n3A_86 = arith.select %eq3A_84, %get3A_1, %broadcast_in_dim3A_85 : vector<8x4096xi1>, vector<8x4096xf32>
        %reduce_max3A_87 = arith.constant dense<0xFF800000> : vector<8xf32>
        %reduce_max3A_88 = vector.multi_reduction <maximumf>, %select_n3A_86, %reduce_max3A_87 [1] : vector<8x4096xf32> to vector<8xf32>
        %broadcast_in_dim3A_89 = vector.shape_cast %reduce_max3A_88 : vector<8xf32> to vector<8x1xf32>
        %broadcast_in_dim3A_90 = vector.broadcast %scan3A_10 : f32 to vector<8x4096xf32>
        %select_n3A_91 = arith.select %eq3A_84, %get3A_4, %broadcast_in_dim3A_90 : vector<8x4096xi1>, vector<8x4096xf32>
        %reduce_max3A_92 = arith.constant dense<0xFF800000> : vector<8xf32>
        %reduce_max3A_93 = vector.multi_reduction <maximumf>, %select_n3A_91, %reduce_max3A_92 [1] : vector<8x4096xf32> to vector<8xf32>
        %broadcast_in_dim3A_94 = vector.shape_cast %reduce_max3A_93 : vector<8xf32> to vector<8x1xf32>
        %broadcast_in_dim3A_95 = vector.broadcast %scan3A_10 : f32 to vector<8x4096xf32>
        %select_n3A_96 = arith.select %eq3A_84, %get3A_7, %broadcast_in_dim3A_95 : vector<8x4096xi1>, vector<8x4096xf32>
        %reduce_max3A_97 = arith.constant dense<0xFF800000> : vector<8xf32>
        %reduce_max3A_98 = vector.multi_reduction <maximumf>, %select_n3A_96, %reduce_max3A_97 [1] : vector<8x4096xf32> to vector<8xf32>
        %broadcast_in_dim3A_99 = vector.shape_cast %reduce_max3A_98 : vector<8xf32> to vector<8x1xf32>
        %sub3A_100 = vector.broadcast %broadcast_in_dim3A_89 : vector<8x1xf32> to vector<8x4096xf32>
        %sub3A_101 = arith.subf %get3A_1, %sub3A_100 : vector<8x4096xf32>
        %sub3A_102 = vector.broadcast %broadcast_in_dim3A_94 : vector<8x1xf32> to vector<8x4096xf32>
        %sub3A_103 = arith.subf %get3A_4, %sub3A_102 : vector<8x4096xf32>
        %sub3A_104 = vector.broadcast %broadcast_in_dim3A_99 : vector<8x1xf32> to vector<8x4096xf32>
        %sub3A_105 = arith.subf %get3A_7, %sub3A_104 : vector<8x4096xf32>
        %mul3A_106 = arith.mulf %sub3A_101, %sub3A_101 : vector<8x4096xf32>
        %mul3A_107 = arith.mulf %sub3A_105, %sub3A_105 : vector<8x4096xf32>
        %add3A_108 = arith.addf %mul3A_106, %mul3A_107 : vector<8x4096xf32>
        %mul3A_109 = arith.mulf %sub3A_103, %sub3A_103 : vector<8x4096xf32>
        %add3A_110 = arith.addf %add3A_108, %mul3A_109 : vector<8x4096xf32>
        %eq3A_111 = vector.broadcast %scan3A_72 : i32 to vector<8x128xi32>
        %eq3A_112 = arith.cmpi eq, %iota3A_8, %eq3A_111 : vector<8x128xi32>
        %convert_element_type3A_113 = arith.fptosi %broadcast_in_dim3A_82 : vector<8x1xf32> to vector<8x1xi32>
        %broadcast_in_dim3A_114 = vector.shape_cast %convert_element_type3A_113 : vector<8x1xi32> to vector<8x1xi32>
        %broadcast_in_dim3A_115 = vector.broadcast %broadcast_in_dim3A_114 : vector<8x1xi32> to vector<8x128xi32>
        %select_n3A_116 = arith.select %eq3A_112, %broadcast_in_dim3A_115, %select_n3A_70 : vector<8x128xi1>, vector<8x128xi32>
        %min3A_117 = arith.minimumf %min3A, %add3A_110 : vector<8x4096xf32>
        %scan3A_118 = arith.constant 2 : i32
        %scan3A_119 = arith.addi %scan3A_30, %scan3A_118 : i32
        %reduce_max3A_120 = arith.constant dense<0xFF800000> : vector<8xf32>
        %reduce_max3A_121 = vector.multi_reduction <maximumf>, %min3A_117, %reduce_max3A_120 [1] : vector<8x4096xf32> to vector<8xf32>
        %broadcast_in_dim3A_122 = vector.shape_cast %reduce_max3A_121 : vector<8xf32> to vector<8x1xf32>
        %eq3A_123 = vector.broadcast %broadcast_in_dim3A_122 : vector<8x1xf32> to vector<8x4096xf32>
        %eq3A_124 = arith.cmpf oeq, %min3A_117, %eq3A_123 : vector<8x4096xf32>
        %broadcast_in_dim3A_125 = vector.broadcast %scan3A : f32 to vector<8x4096xf32>
        %select_n3A_126 = arith.select %eq3A_124, %convert_element_type3A, %broadcast_in_dim3A_125 : vector<8x4096xi1>, vector<8x4096xf32>
        %reduce_min3A_127 = arith.constant dense<0x7F800000> : vector<8xf32>
        %reduce_min3A_128 = vector.multi_reduction <minimumf>, %select_n3A_126, %reduce_min3A_127 [1] : vector<8x4096xf32> to vector<8xf32>
        %broadcast_in_dim3A_129 = vector.shape_cast %reduce_min3A_128 : vector<8xf32> to vector<8x1xf32>
        %eq3A_130 = vector.broadcast %broadcast_in_dim3A_129 : vector<8x1xf32> to vector<8x4096xf32>
        %eq3A_131 = arith.cmpf oeq, %convert_element_type3A, %eq3A_130 : vector<8x4096xf32>
        %broadcast_in_dim3A_132 = vector.broadcast %scan3A_10 : f32 to vector<8x4096xf32>
        %select_n3A_133 = arith.select %eq3A_131, %get3A_1, %broadcast_in_dim3A_132 : vector<8x4096xi1>, vector<8x4096xf32>
        %reduce_max3A_134 = arith.constant dense<0xFF800000> : vector<8xf32>
        %reduce_max3A_135 = vector.multi_reduction <maximumf>, %select_n3A_133, %reduce_max3A_134 [1] : vector<8x4096xf32> to vector<8xf32>
        %broadcast_in_dim3A_136 = vector.shape_cast %reduce_max3A_135 : vector<8xf32> to vector<8x1xf32>
        %broadcast_in_dim3A_137 = vector.broadcast %scan3A_10 : f32 to vector<8x4096xf32>
        %select_n3A_138 = arith.select %eq3A_131, %get3A_4, %broadcast_in_dim3A_137 : vector<8x4096xi1>, vector<8x4096xf32>
        %reduce_max3A_139 = arith.constant dense<0xFF800000> : vector<8xf32>
        %reduce_max3A_140 = vector.multi_reduction <maximumf>, %select_n3A_138, %reduce_max3A_139 [1] : vector<8x4096xf32> to vector<8xf32>
        %broadcast_in_dim3A_141 = vector.shape_cast %reduce_max3A_140 : vector<8xf32> to vector<8x1xf32>
        %broadcast_in_dim3A_142 = vector.broadcast %scan3A_10 : f32 to vector<8x4096xf32>
        %select_n3A_143 = arith.select %eq3A_131, %get3A_7, %broadcast_in_dim3A_142 : vector<8x4096xi1>, vector<8x4096xf32>
        %reduce_max3A_144 = arith.constant dense<0xFF800000> : vector<8xf32>
        %reduce_max3A_145 = vector.multi_reduction <maximumf>, %select_n3A_143, %reduce_max3A_144 [1] : vector<8x4096xf32> to vector<8xf32>
        %broadcast_in_dim3A_146 = vector.shape_cast %reduce_max3A_145 : vector<8xf32> to vector<8x1xf32>
        %sub3A_147 = vector.broadcast %broadcast_in_dim3A_136 : vector<8x1xf32> to vector<8x4096xf32>
        %sub3A_148 = arith.subf %get3A_1, %sub3A_147 : vector<8x4096xf32>
        %sub3A_149 = vector.broadcast %broadcast_in_dim3A_141 : vector<8x1xf32> to vector<8x4096xf32>
        %sub3A_150 = arith.subf %get3A_4, %sub3A_149 : vector<8x4096xf32>
        %sub3A_151 = vector.broadcast %broadcast_in_dim3A_146 : vector<8x1xf32> to vector<8x4096xf32>
        %sub3A_152 = arith.subf %get3A_7, %sub3A_151 : vector<8x4096xf32>
        %mul3A_153 = arith.mulf %sub3A_148, %sub3A_148 : vector<8x4096xf32>
        %mul3A_154 = arith.mulf %sub3A_152, %sub3A_152 : vector<8x4096xf32>
        %add3A_155 = arith.addf %mul3A_153, %mul3A_154 : vector<8x4096xf32>
        %mul3A_156 = arith.mulf %sub3A_150, %sub3A_150 : vector<8x4096xf32>
        %add3A_157 = arith.addf %add3A_155, %mul3A_156 : vector<8x4096xf32>
        %eq3A_158 = vector.broadcast %scan3A_119 : i32 to vector<8x128xi32>
        %eq3A_159 = arith.cmpi eq, %iota3A_8, %eq3A_158 : vector<8x128xi32>
        %convert_element_type3A_160 = arith.fptosi %broadcast_in_dim3A_129 : vector<8x1xf32> to vector<8x1xi32>
        %broadcast_in_dim3A_161 = vector.shape_cast %convert_element_type3A_160 : vector<8x1xi32> to vector<8x1xi32>
        %broadcast_in_dim3A_162 = vector.broadcast %broadcast_in_dim3A_161 : vector<8x1xi32> to vector<8x128xi32>
        %select_n3A_163 = arith.select %eq3A_159, %broadcast_in_dim3A_162, %select_n3A_116 : vector<8x128xi1>, vector<8x128xi32>
        %min3A_164 = arith.minimumf %min3A_117, %add3A_157 : vector<8x4096xf32>
        %scan3A_165 = arith.constant 3 : i32
        %scan3A_166 = arith.addi %scan3A_30, %scan3A_165 : i32
        %reduce_max3A_167 = arith.constant dense<0xFF800000> : vector<8xf32>
        %reduce_max3A_168 = vector.multi_reduction <maximumf>, %min3A_164, %reduce_max3A_167 [1] : vector<8x4096xf32> to vector<8xf32>
        %broadcast_in_dim3A_169 = vector.shape_cast %reduce_max3A_168 : vector<8xf32> to vector<8x1xf32>
        %eq3A_170 = vector.broadcast %broadcast_in_dim3A_169 : vector<8x1xf32> to vector<8x4096xf32>
        %eq3A_171 = arith.cmpf oeq, %min3A_164, %eq3A_170 : vector<8x4096xf32>
        %broadcast_in_dim3A_172 = vector.broadcast %scan3A : f32 to vector<8x4096xf32>
        %select_n3A_173 = arith.select %eq3A_171, %convert_element_type3A, %broadcast_in_dim3A_172 : vector<8x4096xi1>, vector<8x4096xf32>
        %reduce_min3A_174 = arith.constant dense<0x7F800000> : vector<8xf32>
        %reduce_min3A_175 = vector.multi_reduction <minimumf>, %select_n3A_173, %reduce_min3A_174 [1] : vector<8x4096xf32> to vector<8xf32>
        %broadcast_in_dim3A_176 = vector.shape_cast %reduce_min3A_175 : vector<8xf32> to vector<8x1xf32>
        %eq3A_177 = vector.broadcast %broadcast_in_dim3A_176 : vector<8x1xf32> to vector<8x4096xf32>
        %eq3A_178 = arith.cmpf oeq, %convert_element_type3A, %eq3A_177 : vector<8x4096xf32>
        %broadcast_in_dim3A_179 = vector.broadcast %scan3A_10 : f32 to vector<8x4096xf32>
        %select_n3A_180 = arith.select %eq3A_178, %get3A_1, %broadcast_in_dim3A_179 : vector<8x4096xi1>, vector<8x4096xf32>
        %reduce_max3A_181 = arith.constant dense<0xFF800000> : vector<8xf32>
        %reduce_max3A_182 = vector.multi_reduction <maximumf>, %select_n3A_180, %reduce_max3A_181 [1] : vector<8x4096xf32> to vector<8xf32>
        %broadcast_in_dim3A_183 = vector.shape_cast %reduce_max3A_182 : vector<8xf32> to vector<8x1xf32>
        %broadcast_in_dim3A_184 = vector.broadcast %scan3A_10 : f32 to vector<8x4096xf32>
        %select_n3A_185 = arith.select %eq3A_178, %get3A_4, %broadcast_in_dim3A_184 : vector<8x4096xi1>, vector<8x4096xf32>
        %reduce_max3A_186 = arith.constant dense<0xFF800000> : vector<8xf32>
        %reduce_max3A_187 = vector.multi_reduction <maximumf>, %select_n3A_185, %reduce_max3A_186 [1] : vector<8x4096xf32> to vector<8xf32>
        %broadcast_in_dim3A_188 = vector.shape_cast %reduce_max3A_187 : vector<8xf32> to vector<8x1xf32>
        %broadcast_in_dim3A_189 = vector.broadcast %scan3A_10 : f32 to vector<8x4096xf32>
        %select_n3A_190 = arith.select %eq3A_178, %get3A_7, %broadcast_in_dim3A_189 : vector<8x4096xi1>, vector<8x4096xf32>
        %reduce_max3A_191 = arith.constant dense<0xFF800000> : vector<8xf32>
        %reduce_max3A_192 = vector.multi_reduction <maximumf>, %select_n3A_190, %reduce_max3A_191 [1] : vector<8x4096xf32> to vector<8xf32>
        %broadcast_in_dim3A_193 = vector.shape_cast %reduce_max3A_192 : vector<8xf32> to vector<8x1xf32>
        %sub3A_194 = vector.broadcast %broadcast_in_dim3A_183 : vector<8x1xf32> to vector<8x4096xf32>
        %sub3A_195 = arith.subf %get3A_1, %sub3A_194 : vector<8x4096xf32>
        %sub3A_196 = vector.broadcast %broadcast_in_dim3A_188 : vector<8x1xf32> to vector<8x4096xf32>
        %sub3A_197 = arith.subf %get3A_4, %sub3A_196 : vector<8x4096xf32>
        %sub3A_198 = vector.broadcast %broadcast_in_dim3A_193 : vector<8x1xf32> to vector<8x4096xf32>
        %sub3A_199 = arith.subf %get3A_7, %sub3A_198 : vector<8x4096xf32>
        %mul3A_200 = arith.mulf %sub3A_195, %sub3A_195 : vector<8x4096xf32>
        %mul3A_201 = arith.mulf %sub3A_199, %sub3A_199 : vector<8x4096xf32>
        %add3A_202 = arith.addf %mul3A_200, %mul3A_201 : vector<8x4096xf32>
        %mul3A_203 = arith.mulf %sub3A_197, %sub3A_197 : vector<8x4096xf32>
        %add3A_204 = arith.addf %add3A_202, %mul3A_203 : vector<8x4096xf32>
        %eq3A_205 = vector.broadcast %scan3A_166 : i32 to vector<8x128xi32>
        %eq3A_206 = arith.cmpi eq, %iota3A_8, %eq3A_205 : vector<8x128xi32>
        %convert_element_type3A_207 = arith.fptosi %broadcast_in_dim3A_176 : vector<8x1xf32> to vector<8x1xi32>
        %broadcast_in_dim3A_208 = vector.shape_cast %convert_element_type3A_207 : vector<8x1xi32> to vector<8x1xi32>
        %broadcast_in_dim3A_209 = vector.broadcast %broadcast_in_dim3A_208 : vector<8x1xi32> to vector<8x128xi32>
        %select_n3A_210 = arith.select %eq3A_206, %broadcast_in_dim3A_209, %select_n3A_163 : vector<8x128xi1>, vector<8x128xi32>
        %min3A_211 = arith.minimumf %min3A_164, %add3A_204 : vector<8x4096xf32>
        %scan3A_212 = arith.constant 4 : i32
        %scan3A_213 = arith.addi %scan3A_30, %scan3A_212 : i32
        %reduce_max3A_214 = arith.constant dense<0xFF800000> : vector<8xf32>
        %reduce_max3A_215 = vector.multi_reduction <maximumf>, %min3A_211, %reduce_max3A_214 [1] : vector<8x4096xf32> to vector<8xf32>
        %broadcast_in_dim3A_216 = vector.shape_cast %reduce_max3A_215 : vector<8xf32> to vector<8x1xf32>
        %eq3A_217 = vector.broadcast %broadcast_in_dim3A_216 : vector<8x1xf32> to vector<8x4096xf32>
        %eq3A_218 = arith.cmpf oeq, %min3A_211, %eq3A_217 : vector<8x4096xf32>
        %broadcast_in_dim3A_219 = vector.broadcast %scan3A : f32 to vector<8x4096xf32>
        %select_n3A_220 = arith.select %eq3A_218, %convert_element_type3A, %broadcast_in_dim3A_219 : vector<8x4096xi1>, vector<8x4096xf32>
        %reduce_min3A_221 = arith.constant dense<0x7F800000> : vector<8xf32>
        %reduce_min3A_222 = vector.multi_reduction <minimumf>, %select_n3A_220, %reduce_min3A_221 [1] : vector<8x4096xf32> to vector<8xf32>
        %broadcast_in_dim3A_223 = vector.shape_cast %reduce_min3A_222 : vector<8xf32> to vector<8x1xf32>
        %eq3A_224 = vector.broadcast %broadcast_in_dim3A_223 : vector<8x1xf32> to vector<8x4096xf32>
        %eq3A_225 = arith.cmpf oeq, %convert_element_type3A, %eq3A_224 : vector<8x4096xf32>
        %broadcast_in_dim3A_226 = vector.broadcast %scan3A_10 : f32 to vector<8x4096xf32>
        %select_n3A_227 = arith.select %eq3A_225, %get3A_1, %broadcast_in_dim3A_226 : vector<8x4096xi1>, vector<8x4096xf32>
        %reduce_max3A_228 = arith.constant dense<0xFF800000> : vector<8xf32>
        %reduce_max3A_229 = vector.multi_reduction <maximumf>, %select_n3A_227, %reduce_max3A_228 [1] : vector<8x4096xf32> to vector<8xf32>
        %broadcast_in_dim3A_230 = vector.shape_cast %reduce_max3A_229 : vector<8xf32> to vector<8x1xf32>
        %broadcast_in_dim3A_231 = vector.broadcast %scan3A_10 : f32 to vector<8x4096xf32>
        %select_n3A_232 = arith.select %eq3A_225, %get3A_4, %broadcast_in_dim3A_231 : vector<8x4096xi1>, vector<8x4096xf32>
        %reduce_max3A_233 = arith.constant dense<0xFF800000> : vector<8xf32>
        %reduce_max3A_234 = vector.multi_reduction <maximumf>, %select_n3A_232, %reduce_max3A_233 [1] : vector<8x4096xf32> to vector<8xf32>
        %broadcast_in_dim3A_235 = vector.shape_cast %reduce_max3A_234 : vector<8xf32> to vector<8x1xf32>
        %broadcast_in_dim3A_236 = vector.broadcast %scan3A_10 : f32 to vector<8x4096xf32>
        %select_n3A_237 = arith.select %eq3A_225, %get3A_7, %broadcast_in_dim3A_236 : vector<8x4096xi1>, vector<8x4096xf32>
        %reduce_max3A_238 = arith.constant dense<0xFF800000> : vector<8xf32>
        %reduce_max3A_239 = vector.multi_reduction <maximumf>, %select_n3A_237, %reduce_max3A_238 [1] : vector<8x4096xf32> to vector<8xf32>
        %broadcast_in_dim3A_240 = vector.shape_cast %reduce_max3A_239 : vector<8xf32> to vector<8x1xf32>
        %sub3A_241 = vector.broadcast %broadcast_in_dim3A_230 : vector<8x1xf32> to vector<8x4096xf32>
        %sub3A_242 = arith.subf %get3A_1, %sub3A_241 : vector<8x4096xf32>
        %sub3A_243 = vector.broadcast %broadcast_in_dim3A_235 : vector<8x1xf32> to vector<8x4096xf32>
        %sub3A_244 = arith.subf %get3A_4, %sub3A_243 : vector<8x4096xf32>
        %sub3A_245 = vector.broadcast %broadcast_in_dim3A_240 : vector<8x1xf32> to vector<8x4096xf32>
        %sub3A_246 = arith.subf %get3A_7, %sub3A_245 : vector<8x4096xf32>
        %mul3A_247 = arith.mulf %sub3A_242, %sub3A_242 : vector<8x4096xf32>
        %mul3A_248 = arith.mulf %sub3A_246, %sub3A_246 : vector<8x4096xf32>
        %add3A_249 = arith.addf %mul3A_247, %mul3A_248 : vector<8x4096xf32>
        %mul3A_250 = arith.mulf %sub3A_244, %sub3A_244 : vector<8x4096xf32>
        %add3A_251 = arith.addf %add3A_249, %mul3A_250 : vector<8x4096xf32>
        %eq3A_252 = vector.broadcast %scan3A_213 : i32 to vector<8x128xi32>
        %eq3A_253 = arith.cmpi eq, %iota3A_8, %eq3A_252 : vector<8x128xi32>
        %convert_element_type3A_254 = arith.fptosi %broadcast_in_dim3A_223 : vector<8x1xf32> to vector<8x1xi32>
        %broadcast_in_dim3A_255 = vector.shape_cast %convert_element_type3A_254 : vector<8x1xi32> to vector<8x1xi32>
        %broadcast_in_dim3A_256 = vector.broadcast %broadcast_in_dim3A_255 : vector<8x1xi32> to vector<8x128xi32>
        %select_n3A_257 = arith.select %eq3A_253, %broadcast_in_dim3A_256, %select_n3A_210 : vector<8x128xi1>, vector<8x128xi32>
        %min3A_258 = arith.minimumf %min3A_211, %add3A_251 : vector<8x4096xf32>
        %scan3A_259 = arith.constant 5 : i32
        %scan3A_260 = arith.addi %scan3A_30, %scan3A_259 : i32
        %reduce_max3A_261 = arith.constant dense<0xFF800000> : vector<8xf32>
        %reduce_max3A_262 = vector.multi_reduction <maximumf>, %min3A_258, %reduce_max3A_261 [1] : vector<8x4096xf32> to vector<8xf32>
        %broadcast_in_dim3A_263 = vector.shape_cast %reduce_max3A_262 : vector<8xf32> to vector<8x1xf32>
        %eq3A_264 = vector.broadcast %broadcast_in_dim3A_263 : vector<8x1xf32> to vector<8x4096xf32>
        %eq3A_265 = arith.cmpf oeq, %min3A_258, %eq3A_264 : vector<8x4096xf32>
        %broadcast_in_dim3A_266 = vector.broadcast %scan3A : f32 to vector<8x4096xf32>
        %select_n3A_267 = arith.select %eq3A_265, %convert_element_type3A, %broadcast_in_dim3A_266 : vector<8x4096xi1>, vector<8x4096xf32>
        %reduce_min3A_268 = arith.constant dense<0x7F800000> : vector<8xf32>
        %reduce_min3A_269 = vector.multi_reduction <minimumf>, %select_n3A_267, %reduce_min3A_268 [1] : vector<8x4096xf32> to vector<8xf32>
        %broadcast_in_dim3A_270 = vector.shape_cast %reduce_min3A_269 : vector<8xf32> to vector<8x1xf32>
        %eq3A_271 = vector.broadcast %broadcast_in_dim3A_270 : vector<8x1xf32> to vector<8x4096xf32>
        %eq3A_272 = arith.cmpf oeq, %convert_element_type3A, %eq3A_271 : vector<8x4096xf32>
        %broadcast_in_dim3A_273 = vector.broadcast %scan3A_10 : f32 to vector<8x4096xf32>
        %select_n3A_274 = arith.select %eq3A_272, %get3A_1, %broadcast_in_dim3A_273 : vector<8x4096xi1>, vector<8x4096xf32>
        %reduce_max3A_275 = arith.constant dense<0xFF800000> : vector<8xf32>
        %reduce_max3A_276 = vector.multi_reduction <maximumf>, %select_n3A_274, %reduce_max3A_275 [1] : vector<8x4096xf32> to vector<8xf32>
        %broadcast_in_dim3A_277 = vector.shape_cast %reduce_max3A_276 : vector<8xf32> to vector<8x1xf32>
        %broadcast_in_dim3A_278 = vector.broadcast %scan3A_10 : f32 to vector<8x4096xf32>
        %select_n3A_279 = arith.select %eq3A_272, %get3A_4, %broadcast_in_dim3A_278 : vector<8x4096xi1>, vector<8x4096xf32>
        %reduce_max3A_280 = arith.constant dense<0xFF800000> : vector<8xf32>
        %reduce_max3A_281 = vector.multi_reduction <maximumf>, %select_n3A_279, %reduce_max3A_280 [1] : vector<8x4096xf32> to vector<8xf32>
        %broadcast_in_dim3A_282 = vector.shape_cast %reduce_max3A_281 : vector<8xf32> to vector<8x1xf32>
        %broadcast_in_dim3A_283 = vector.broadcast %scan3A_10 : f32 to vector<8x4096xf32>
        %select_n3A_284 = arith.select %eq3A_272, %get3A_7, %broadcast_in_dim3A_283 : vector<8x4096xi1>, vector<8x4096xf32>
        %reduce_max3A_285 = arith.constant dense<0xFF800000> : vector<8xf32>
        %reduce_max3A_286 = vector.multi_reduction <maximumf>, %select_n3A_284, %reduce_max3A_285 [1] : vector<8x4096xf32> to vector<8xf32>
        %broadcast_in_dim3A_287 = vector.shape_cast %reduce_max3A_286 : vector<8xf32> to vector<8x1xf32>
        %sub3A_288 = vector.broadcast %broadcast_in_dim3A_277 : vector<8x1xf32> to vector<8x4096xf32>
        %sub3A_289 = arith.subf %get3A_1, %sub3A_288 : vector<8x4096xf32>
        %sub3A_290 = vector.broadcast %broadcast_in_dim3A_282 : vector<8x1xf32> to vector<8x4096xf32>
        %sub3A_291 = arith.subf %get3A_4, %sub3A_290 : vector<8x4096xf32>
        %sub3A_292 = vector.broadcast %broadcast_in_dim3A_287 : vector<8x1xf32> to vector<8x4096xf32>
        %sub3A_293 = arith.subf %get3A_7, %sub3A_292 : vector<8x4096xf32>
        %mul3A_294 = arith.mulf %sub3A_289, %sub3A_289 : vector<8x4096xf32>
        %mul3A_295 = arith.mulf %sub3A_293, %sub3A_293 : vector<8x4096xf32>
        %add3A_296 = arith.addf %mul3A_294, %mul3A_295 : vector<8x4096xf32>
        %mul3A_297 = arith.mulf %sub3A_291, %sub3A_291 : vector<8x4096xf32>
        %add3A_298 = arith.addf %add3A_296, %mul3A_297 : vector<8x4096xf32>
        %eq3A_299 = vector.broadcast %scan3A_260 : i32 to vector<8x128xi32>
        %eq3A_300 = arith.cmpi eq, %iota3A_8, %eq3A_299 : vector<8x128xi32>
        %convert_element_type3A_301 = arith.fptosi %broadcast_in_dim3A_270 : vector<8x1xf32> to vector<8x1xi32>
        %broadcast_in_dim3A_302 = vector.shape_cast %convert_element_type3A_301 : vector<8x1xi32> to vector<8x1xi32>
        %broadcast_in_dim3A_303 = vector.broadcast %broadcast_in_dim3A_302 : vector<8x1xi32> to vector<8x128xi32>
        %select_n3A_304 = arith.select %eq3A_300, %broadcast_in_dim3A_303, %select_n3A_257 : vector<8x128xi1>, vector<8x128xi32>
        %min3A_305 = arith.minimumf %min3A_258, %add3A_298 : vector<8x4096xf32>
        %scan3A_306 = arith.constant 6 : i32
        %scan3A_307 = arith.addi %scan3A_30, %scan3A_306 : i32
        %reduce_max3A_308 = arith.constant dense<0xFF800000> : vector<8xf32>
        %reduce_max3A_309 = vector.multi_reduction <maximumf>, %min3A_305, %reduce_max3A_308 [1] : vector<8x4096xf32> to vector<8xf32>
        %broadcast_in_dim3A_310 = vector.shape_cast %reduce_max3A_309 : vector<8xf32> to vector<8x1xf32>
        %eq3A_311 = vector.broadcast %broadcast_in_dim3A_310 : vector<8x1xf32> to vector<8x4096xf32>
        %eq3A_312 = arith.cmpf oeq, %min3A_305, %eq3A_311 : vector<8x4096xf32>
        %broadcast_in_dim3A_313 = vector.broadcast %scan3A : f32 to vector<8x4096xf32>
        %select_n3A_314 = arith.select %eq3A_312, %convert_element_type3A, %broadcast_in_dim3A_313 : vector<8x4096xi1>, vector<8x4096xf32>
        %reduce_min3A_315 = arith.constant dense<0x7F800000> : vector<8xf32>
        %reduce_min3A_316 = vector.multi_reduction <minimumf>, %select_n3A_314, %reduce_min3A_315 [1] : vector<8x4096xf32> to vector<8xf32>
        %broadcast_in_dim3A_317 = vector.shape_cast %reduce_min3A_316 : vector<8xf32> to vector<8x1xf32>
        %eq3A_318 = vector.broadcast %broadcast_in_dim3A_317 : vector<8x1xf32> to vector<8x4096xf32>
        %eq3A_319 = arith.cmpf oeq, %convert_element_type3A, %eq3A_318 : vector<8x4096xf32>
        %broadcast_in_dim3A_320 = vector.broadcast %scan3A_10 : f32 to vector<8x4096xf32>
        %select_n3A_321 = arith.select %eq3A_319, %get3A_1, %broadcast_in_dim3A_320 : vector<8x4096xi1>, vector<8x4096xf32>
        %reduce_max3A_322 = arith.constant dense<0xFF800000> : vector<8xf32>
        %reduce_max3A_323 = vector.multi_reduction <maximumf>, %select_n3A_321, %reduce_max3A_322 [1] : vector<8x4096xf32> to vector<8xf32>
        %broadcast_in_dim3A_324 = vector.shape_cast %reduce_max3A_323 : vector<8xf32> to vector<8x1xf32>
        %broadcast_in_dim3A_325 = vector.broadcast %scan3A_10 : f32 to vector<8x4096xf32>
        %select_n3A_326 = arith.select %eq3A_319, %get3A_4, %broadcast_in_dim3A_325 : vector<8x4096xi1>, vector<8x4096xf32>
        %reduce_max3A_327 = arith.constant dense<0xFF800000> : vector<8xf32>
        %reduce_max3A_328 = vector.multi_reduction <maximumf>, %select_n3A_326, %reduce_max3A_327 [1] : vector<8x4096xf32> to vector<8xf32>
        %broadcast_in_dim3A_329 = vector.shape_cast %reduce_max3A_328 : vector<8xf32> to vector<8x1xf32>
        %broadcast_in_dim3A_330 = vector.broadcast %scan3A_10 : f32 to vector<8x4096xf32>
        %select_n3A_331 = arith.select %eq3A_319, %get3A_7, %broadcast_in_dim3A_330 : vector<8x4096xi1>, vector<8x4096xf32>
        %reduce_max3A_332 = arith.constant dense<0xFF800000> : vector<8xf32>
        %reduce_max3A_333 = vector.multi_reduction <maximumf>, %select_n3A_331, %reduce_max3A_332 [1] : vector<8x4096xf32> to vector<8xf32>
        %broadcast_in_dim3A_334 = vector.shape_cast %reduce_max3A_333 : vector<8xf32> to vector<8x1xf32>
        %sub3A_335 = vector.broadcast %broadcast_in_dim3A_324 : vector<8x1xf32> to vector<8x4096xf32>
        %sub3A_336 = arith.subf %get3A_1, %sub3A_335 : vector<8x4096xf32>
        %sub3A_337 = vector.broadcast %broadcast_in_dim3A_329 : vector<8x1xf32> to vector<8x4096xf32>
        %sub3A_338 = arith.subf %get3A_4, %sub3A_337 : vector<8x4096xf32>
        %sub3A_339 = vector.broadcast %broadcast_in_dim3A_334 : vector<8x1xf32> to vector<8x4096xf32>
        %sub3A_340 = arith.subf %get3A_7, %sub3A_339 : vector<8x4096xf32>
        %mul3A_341 = arith.mulf %sub3A_336, %sub3A_336 : vector<8x4096xf32>
        %mul3A_342 = arith.mulf %sub3A_340, %sub3A_340 : vector<8x4096xf32>
        %add3A_343 = arith.addf %mul3A_341, %mul3A_342 : vector<8x4096xf32>
        %mul3A_344 = arith.mulf %sub3A_338, %sub3A_338 : vector<8x4096xf32>
        %add3A_345 = arith.addf %add3A_343, %mul3A_344 : vector<8x4096xf32>
        %eq3A_346 = vector.broadcast %scan3A_307 : i32 to vector<8x128xi32>
        %eq3A_347 = arith.cmpi eq, %iota3A_8, %eq3A_346 : vector<8x128xi32>
        %convert_element_type3A_348 = arith.fptosi %broadcast_in_dim3A_317 : vector<8x1xf32> to vector<8x1xi32>
        %broadcast_in_dim3A_349 = vector.shape_cast %convert_element_type3A_348 : vector<8x1xi32> to vector<8x1xi32>
        %broadcast_in_dim3A_350 = vector.broadcast %broadcast_in_dim3A_349 : vector<8x1xi32> to vector<8x128xi32>
        %select_n3A_351 = arith.select %eq3A_347, %broadcast_in_dim3A_350, %select_n3A_304 : vector<8x128xi1>, vector<8x128xi32>
        %min3A_352 = arith.minimumf %min3A_305, %add3A_345 : vector<8x4096xf32>
        %scan3A_353 = arith.constant 7 : i32
        %scan3A_354 = arith.addi %scan3A_30, %scan3A_353 : i32
        %reduce_max3A_355 = arith.constant dense<0xFF800000> : vector<8xf32>
        %reduce_max3A_356 = vector.multi_reduction <maximumf>, %min3A_352, %reduce_max3A_355 [1] : vector<8x4096xf32> to vector<8xf32>
        %broadcast_in_dim3A_357 = vector.shape_cast %reduce_max3A_356 : vector<8xf32> to vector<8x1xf32>
        %eq3A_358 = vector.broadcast %broadcast_in_dim3A_357 : vector<8x1xf32> to vector<8x4096xf32>
        %eq3A_359 = arith.cmpf oeq, %min3A_352, %eq3A_358 : vector<8x4096xf32>
        %broadcast_in_dim3A_360 = vector.broadcast %scan3A : f32 to vector<8x4096xf32>
        %select_n3A_361 = arith.select %eq3A_359, %convert_element_type3A, %broadcast_in_dim3A_360 : vector<8x4096xi1>, vector<8x4096xf32>
        %reduce_min3A_362 = arith.constant dense<0x7F800000> : vector<8xf32>
        %reduce_min3A_363 = vector.multi_reduction <minimumf>, %select_n3A_361, %reduce_min3A_362 [1] : vector<8x4096xf32> to vector<8xf32>
        %broadcast_in_dim3A_364 = vector.shape_cast %reduce_min3A_363 : vector<8xf32> to vector<8x1xf32>
        %eq3A_365 = vector.broadcast %broadcast_in_dim3A_364 : vector<8x1xf32> to vector<8x4096xf32>
        %eq3A_366 = arith.cmpf oeq, %convert_element_type3A, %eq3A_365 : vector<8x4096xf32>
        %broadcast_in_dim3A_367 = vector.broadcast %scan3A_10 : f32 to vector<8x4096xf32>
        %select_n3A_368 = arith.select %eq3A_366, %get3A_1, %broadcast_in_dim3A_367 : vector<8x4096xi1>, vector<8x4096xf32>
        %reduce_max3A_369 = arith.constant dense<0xFF800000> : vector<8xf32>
        %reduce_max3A_370 = vector.multi_reduction <maximumf>, %select_n3A_368, %reduce_max3A_369 [1] : vector<8x4096xf32> to vector<8xf32>
        %broadcast_in_dim3A_371 = vector.shape_cast %reduce_max3A_370 : vector<8xf32> to vector<8x1xf32>
        %broadcast_in_dim3A_372 = vector.broadcast %scan3A_10 : f32 to vector<8x4096xf32>
        %select_n3A_373 = arith.select %eq3A_366, %get3A_4, %broadcast_in_dim3A_372 : vector<8x4096xi1>, vector<8x4096xf32>
        %reduce_max3A_374 = arith.constant dense<0xFF800000> : vector<8xf32>
        %reduce_max3A_375 = vector.multi_reduction <maximumf>, %select_n3A_373, %reduce_max3A_374 [1] : vector<8x4096xf32> to vector<8xf32>
        %broadcast_in_dim3A_376 = vector.shape_cast %reduce_max3A_375 : vector<8xf32> to vector<8x1xf32>
        %broadcast_in_dim3A_377 = vector.broadcast %scan3A_10 : f32 to vector<8x4096xf32>
        %select_n3A_378 = arith.select %eq3A_366, %get3A_7, %broadcast_in_dim3A_377 : vector<8x4096xi1>, vector<8x4096xf32>
        %reduce_max3A_379 = arith.constant dense<0xFF800000> : vector<8xf32>
        %reduce_max3A_380 = vector.multi_reduction <maximumf>, %select_n3A_378, %reduce_max3A_379 [1] : vector<8x4096xf32> to vector<8xf32>
        %broadcast_in_dim3A_381 = vector.shape_cast %reduce_max3A_380 : vector<8xf32> to vector<8x1xf32>
        %sub3A_382 = vector.broadcast %broadcast_in_dim3A_371 : vector<8x1xf32> to vector<8x4096xf32>
        %sub3A_383 = arith.subf %get3A_1, %sub3A_382 : vector<8x4096xf32>
        %sub3A_384 = vector.broadcast %broadcast_in_dim3A_376 : vector<8x1xf32> to vector<8x4096xf32>
        %sub3A_385 = arith.subf %get3A_4, %sub3A_384 : vector<8x4096xf32>
        %sub3A_386 = vector.broadcast %broadcast_in_dim3A_381 : vector<8x1xf32> to vector<8x4096xf32>
        %sub3A_387 = arith.subf %get3A_7, %sub3A_386 : vector<8x4096xf32>
        %mul3A_388 = arith.mulf %sub3A_383, %sub3A_383 : vector<8x4096xf32>
        %mul3A_389 = arith.mulf %sub3A_387, %sub3A_387 : vector<8x4096xf32>
        %add3A_390 = arith.addf %mul3A_388, %mul3A_389 : vector<8x4096xf32>
        %mul3A_391 = arith.mulf %sub3A_385, %sub3A_385 : vector<8x4096xf32>
        %add3A_392 = arith.addf %add3A_390, %mul3A_391 : vector<8x4096xf32>
        %eq3A_393 = vector.broadcast %scan3A_354 : i32 to vector<8x128xi32>
        %eq3A_394 = arith.cmpi eq, %iota3A_8, %eq3A_393 : vector<8x128xi32>
        %convert_element_type3A_395 = arith.fptosi %broadcast_in_dim3A_364 : vector<8x1xf32> to vector<8x1xi32>
        %broadcast_in_dim3A_396 = vector.shape_cast %convert_element_type3A_395 : vector<8x1xi32> to vector<8x1xi32>
        %broadcast_in_dim3A_397 = vector.broadcast %broadcast_in_dim3A_396 : vector<8x1xi32> to vector<8x128xi32>
        %select_n3A_398 = arith.select %eq3A_394, %broadcast_in_dim3A_397, %select_n3A_351 : vector<8x128xi1>, vector<8x128xi32>
        %min3A_399 = arith.minimumf %min3A_352, %add3A_392 : vector<8x4096xf32>
        scf.yield %min3A_399, %select_n3A_398 : vector<8x4096xf32>, vector<8x128xi32>
      }
      %scan3A_26 = arith.constant 128 : i32
      %mul3A = arith.constant 128 : i32
      %mul3A_27 = arith.muli %scan3A_17, %mul3A : i32
      %multiple_of3A = tpu.assume_multiple %mul3A_27, 128 : i32
      %swap3A = arith.constant 0 : index
      %swap3A_28 = arith.index_cast %multiple_of3A : i32 to index
      %swap3A_29 = vector.load %arg3[%swap3A, %swap3A_28] : memref<8x2048xi32, #tpu.memory_space<vmem>>, vector<8x128xi32>
      tpu.vector_store %arg3[%swap3A, %swap3A_28], %scan3A_25#1 {strides = array<i32>} : memref<8x2048xi32, #tpu.memory_space<vmem>>, vector<8x128xi32>,
      scf.yield %scan3A_25#0 : vector<8x4096xf32>
    }
    %scan3A_16 = arith.constant 16 : i32
    return
  }
}

</mosaic_0001>

<sc_bundles>
// kernel: kernel.4.cloned.1.call-start
scs
__scs_entry_jumppad:
0x0: {  	(pc) =	sbr.rel $0x88, $3  }
0x1: {  	(tag) =	ssettag $0x0;
	lr =	simm.s32 $0x1  }
0x2: {  	[smem:$0x3FA0] =	sst lr;
	_ =	strace $0xD0000000  }
0x3: {  	_ = 	snop  }
0x4: {  	_ = 	snop  }
0x5: {  	_ = 	snop  }
0x6: {  	_ = 	snop  }
0x7: {  	_ = 	snop  }
__scs_overlays_trampoline_lowered:
0x8: {  	[smem:$0x3FAF] =	sst s0  }
0x9: {  	[smem:$0x3FB0] =	sst s1  }
0xa: {  	[smem:$0x3FB1] =	sst s2  }
0xb: {  	[smem:$0x3FB2] =	sst s3  }
0xc: {  	[smem:$0x3FB3] =	sst s4  }
0xd: {  	[smem:$0x3FB4] =	sst s5  }
0xe: {  	[smem:$0x3FB5] =	sst s6  }
0xf: {  	[smem:$0x3FB6] =	sst s7  }
0x10: {  	[smem:$0x3FB7] =	sst s8  }
0x11: {  	[smem:$0x3FB8] =	sst s9;
	s0 =	simm.s32 @!p0 $0x0  }
0x12: {  	s1 =	sld [smem:$0x3F9E];
	s0 =	simm.s32 @p0 $0x1  }
0x13: {  	[smem:$0x3FB9] =	sst s0;
	s0 =	simm.s32 @!p1 $0x0  }
0x14: {  	s2 =	sld [smem:$0x3F9D];
	s0 =	simm.s32 @p1 $0x1  }
0x15: {  	[smem:$0x3FBA] =	sst s0;
	s0 =	simm.s32 @!p2 $0x0  }
0x16: {  	s3 =	sld [smem:$0x3FDB];
	s0 =	simm.s32 @p2 $0x1  }
0x17: {  	s4 =	simm.s32 $0x1BF5;
	[smem:$0x3FBC] =	sst s0  }
0x18: {  	s0 =	sld [smem:$0x3F9F];
	_ =	swait.ge [sflag:s4], $0x0  }
0x19: {  	s7 =	sld [smem:$0x3FA0]  }
0x1a: {  	s8 =	sadd.s32 $0xFFFFE003, lr  }
0x1b: {  	s9 =	sadd.s32 $0xFFFFFEF7, lr;
	s5 =	simm.s32 $0xFFFFFFFF;
	p2 =	slt.u32 s8, $0xFFFFF086  }
0x1c: {  	p1 =	slt.u32 s9, $0xF7A;
	s5 =	simm.s32 @!p2 $0x0  }
0x1d: {  	s5 =	simm.s32 @p1 $0x1;
	p0 =	seq.s32 s7, s2  }
0x1e: {  	s7 =	smul.u32 @!p0 $0xF7A, s2;
	p2 =	seq.s32 @!p0 s5, $0x0  }
0x1f: {  	s9 =	smul.u32 $0xF7A, s1;
	s8 =	simm.s32 @!p0 $0x1BF5;
	p2 =	por !p2, p0  }
0x20: {  	[sflag:s8] =	ssyncset.s32 @!p0 $0xFFFFF086;
	s6 =	sadd.s32 @!p0 s3, s7;
	s7 =	simm.s32 @!p0 $0x108  }
0x21: {  	s3 =	sadd.s32 s3, s9;
	s6 =	sadd.s32 @!p0 $0x88, s6;
	s7 =	simm.s32 @p2 $0x1082  }
0x22: {  	[simem:s7], [sflag:s8] =	dma.local @!p0 [hbm:s6], $0xF7A  }
0x23: {  	s9 =	sor.u32 $0xD0000000, s2;
	s6 =	simm.s32 $0x108;
	_ =	swait.ge @!p0 [sflag:s8], $0x0  }
0x24: {  	s3 =	sadd.s32 $0x88, s3;
	s6 =	simm.s32 @!p1 $0x1082;
	[sflag:s4] =	ssyncset.s32 $0xFFFFF086  }
0x25: {  	[simem:s6], [sflag:s4] =	dma.local [hbm:s3], $0xF7A  }
0x26: {  	[smem:$0x3FA0] =	sst s1;
	(tag) =	ssettag s2;
	_ =	strace s9  }
0x27: {  	s1 =	sld [smem:$0x3FB0]  }
0x28: {  	s2 =	sld [smem:$0x3FB1]  }
0x29: {  	s4 =	sld [smem:$0x3FB3]  }
0x2a: {  	p0 =	seq.s32 s5, $0x0;
	s5 =	sld [smem:$0x3FB4]  }
0x2b: {  	s6 =	sld [smem:$0x3FB5]  }
0x2c: {  	s7 =	sld [smem:$0x3FB6]  }
0x2d: {  	s3 =	simm.s32 $0x108;
	s8 =	sld [smem:$0x3FB7]  }
0x2e: {  	s3 =	simm.s32 @!p0 $0x1082;
	s9 =	sld [smem:$0x3FB8]  }
0x2f: {  	lr =	sadd.s32 s0, s3;
	s0 =	sld [smem:$0x3FAF]  }
0x30: {  	s3 =	sld [smem:$0x3FB2]  }
0x31: {  	[smem:$0x3FBB] =	sst s10  }
0x32: {  	s10 =	sld [smem:$0x3FB9];
	_ =	sdelay $0x3  }
0x33: {  	p0 =	seq.s32 s10, $0x1;
	s10 =	sld [smem:$0x3FBB];
	_ =	sdelay $0x3  }
0x34: {  	[smem:$0x3FBB] =	sst s10  }
0x35: {  	s10 =	sld [smem:$0x3FBA];
	_ =	sdelay $0x3  }
0x36: {  	p1 =	seq.s32 s10, $0x1;
	s10 =	sld [smem:$0x3FBB];
	_ =	sdelay $0x3  }
0x37: {  	[smem:$0x3FBB] =	sst s10  }
0x38: {  	s10 =	sld [smem:$0x3FBC]  }
0x39: {  	_ = 	snop;
	(pc) =	sbr.ind lr, $3  }
0x3a: {  	_ = 	snop  }
0x3b: {  	_ = 	snop  }
0x3c: {  	p2 =	seq.s32 s10, $0x1;
	s10 =	sld [smem:$0x3FBB]  }
0x3d: {  	_ =	shalt  }
0x3e: {  	_ =	shalt  }
0x3f: {  	_ =	shalt  }
0x40: {  	_ =	shalt  }
0x41: {  	_ =	shalt  }
0x42: {  	_ =	shalt  }
0x43: {  	_ =	shalt  }
0x44: {  	_ =	shalt  }
0x45: {  	_ =	shalt  }
0x46: {  	_ =	shalt  }
0x47: {  	_ =	shalt  }
0x48: {  	_ =	shalt  }
0x49: {  	_ =	shalt  }
0x4a: {  	_ =	shalt  }
0x4b: {  	_ =	shalt  }
0x4c: {  	_ =	shalt  }
0x4d: {  	_ =	shalt  }
0x4e: {  	_ =	shalt  }
0x4f: {  	_ =	shalt  }
0x50: {  	_ =	shalt  }
0x51: {  	_ =	shalt  }
0x52: {  	_ =	shalt  }
0x53: {  	_ =	shalt  }
0x54: {  	_ =	shalt  }
0x55: {  	_ =	shalt  }
0x56: {  	_ =	shalt  }
0x57: {  	_ =	shalt  }
0x58: {  	_ =	shalt  }
0x59: {  	_ =	shalt  }
0x5a: {  	_ =	shalt  }
0x5b: {  	_ =	shalt  }
0x5c: {  	_ =	shalt  }
0x5d: {  	_ =	shalt  }
0x5e: {  	_ =	shalt  }
0x5f: {  	_ =	shalt  }
0x60: {  	_ =	shalt  }
0x61: {  	_ =	shalt  }
0x62: {  	_ =	shalt  }
0x63: {  	_ =	shalt  }
0x64: {  	_ =	shalt  }
0x65: {  	_ =	shalt  }
0x66: {  	_ =	shalt  }
0x67: {  	_ =	shalt  }
0x68: {  	_ =	shalt  }
0x69: {  	_ =	shalt  }
0x6a: {  	_ =	shalt  }
0x6b: {  	_ =	shalt  }
0x6c: {  	_ =	shalt  }
0x6d: {  	_ =	shalt  }
0x6e: {  	_ =	shalt  }
0x6f: {  	_ =	shalt  }
0x70: {  	_ =	shalt  }
0x71: {  	_ =	shalt  }
0x72: {  	_ =	shalt  }
0x73: {  	_ =	shalt  }
0x74: {  	_ =	shalt  }
0x75: {  	_ =	shalt  }
0x76: {  	_ =	shalt  }
0x77: {  	_ =	shalt  }
0x78: {  	_ =	shalt  }
0x79: {  	_ =	shalt  }
0x7a: {  	_ =	shalt  }
0x7b: {  	_ =	shalt  }
0x7c: {  	_ =	shalt  }
0x7d: {  	_ =	shalt  }
0x7e: {  	_ =	shalt  }
0x7f: {  	_ =	shalt  }
0x80: {  	_ =	shalt  }
0x81: {  	_ =	shalt  }
0x82: {  	_ =	shalt  }
0x83: {  	_ =	shalt  }
0x84: {  	_ =	shalt  }
0x85: {  	_ =	shalt  }
0x86: {  	_ =	shalt  }
0x87: {  	_ =	shalt  }
.Lfunc_end0:
.L_simem_size_0:
called_computation_lowered:
.L_overlay_start_0:
0x88: {  	s2 =	sld [smem:$0x3FD9]  }
0x89: {  	s3 =	sld [smem:$0x3FFE];
	_ =	sdelay $0x1  }
0x8a: {  	s1 =	srdreg.scid  }
0x8b: {  	s0 =	sand.u32 $0x1, s1  }
0x8c: {  	s17 =	sshll.u32 s0, $0xA;
	s2 =	sadd.s32 s3, s2  }
0x8d: {  	s2 =	sadd.s32 s2, s17  }
0x8e: {  	[smem:$0x3FC7] =	sst s2  }
0x8f: {  	_ = 	snop  }
0x90: {  	s2 =	sld [smem:$0x3FD0];
	(tm) =	ssettm $0x1  }
0x91: {  	s18 =	sld [smem:$0x3FFB];
	_ =	sdelay $0x3  }
0x92: {  	_ =	strace s18  }
0x93: {  	s3 =	sld [smem:$0x3FFC];
	_ =	sdelay $0x3  }
0x94: {  	_ =	strace s3  }
0x95: {  	s3 =	sld [smem:$0x3FFD];
	_ =	sdelay $0x3  }
0x96: {  	_ =	strace s3  }
0x97: {  	_ =	strace $0x8FFFFFFF  }
0x98: {  	s19 =	sld [smem:$0x3FDB];
	_ =	sdelay $0x1  }
0x99: {  	s4 =	simm.s32 $_scs_section_size  }
0x9a: {  	s5 =	simm.s32 $_size__tile_overlayer_lowered;
	s6 =	simm.s32 $_tile_overlayer_lowered  }
0x9b: {  	s22 =	simm.s32 $0x1BFF;
	s21 =	sshll.u32 s6, $0x1;
	s3 =	sadd.s32 s4, s19  }
0x9c: {  	s7 =	simm.s32 $0x0;
	s20 =	sshll.u32 s5, $0x1;
	s5 =	sadd.s32 s21, s3  }
0x9d: {  	[timem:s7], [sflag:s22] =	dma.local [hbm:s5], s20  }
0x9e: {  	_ =	swait.ge [sflag:s22], s20  }
0x9f: {  	s4 =	ssub.s32 $0x0, s20;
	[sflag:s22] =	ssyncset.done $0x0  }
0xa0: {  	[sflag:s22] =	ssyncadd.s32 s4;
	_ =	sdelay $0x1  }
0xa1: {  	s23 =	simm.s32 $0x1B8B  }
0xa2: {  	_ =	swait.ge [sflag:s23], $0x1  }
0xa3: {  	[sflag:s23] =	ssyncset.done $0x0  }
0xa4: {  	s25 =	simm.s32 $0x1B8E;
	s24 =	sld [smem:$0x3FFE];
	[sflag:s23] =	ssyncadd.s32 $0xFFFFFFFF  }
0xa5: {  	s26 =	simm.s32 $execute0_lowered;
	[smem:$0x3FD2] =	sst s25  }
0xa6: {  	s5 =	sshll.u32 s26, $0x1;
	_ =	strace $0x80000046;
	[dreg:$0x1] =	wrdreg $0xFFFFFFFF  }
0xa7: {  	s28 =	simm.s32 $_size_execute0_lowered;
	s3 =	sadd.s32 s3, s5;
	[dreg:$0x0] =	wrdreg $0x0  }
0xa8: {  	s5 =	sshll.u32 s28, $0x1;
	[dreg:$0x2] =	wrdreg s3  }
0xa9: {  	[dreg:$0x3] =	wrdreg s5  }
0xaa: {  	[dreg:$0x4] =	wrdreg $0xC0  }
0xab: {  	_ =	task [dreg:s7], $0x5FFFF  }
0xac: {  	[dreg:$0x1] =	wrdreg $0xFFFFFFFF  }
0xad: {  	[dreg:$0x0] =	wrdreg $0x60  }
0xae: {  	[dreg:$0x2] =	wrdreg s24  }
0xaf: {  	[dreg:$0x3] =	wrdreg s2  }
0xb0: {  	[dreg:$0x4] =	wrdreg $0x9  }
0xb1: {  	_ =	task.clear_ibuf [dreg:s7], $0x5FFFF;
	_ =	strace $0x90000046  }
0xb2: {  	s29 =	simm.s32 $0x9;
	_ =	strace $0x80000048  }
0xb3: {  	_ =	swait.ge [sflag:s29], $0x1  }
0xb4: {  	[sflag:s29] =	ssyncadd.s32 $0xFFFFFFFF  }
0xb5: {  	_ =	strace $0x90000048  }
0xb6: {  	_ =	sfence  }
0xb7: {  	s30 =	sld [smem:$0x0];
	_ =	sdelay $0x2  }
0xb8: {  	s31 =	sshll.u32 s1, $0xD;
	s1 =	sshrl.u32 s1, $0x2  }
0xb9: {  	s3 =	sand.u32 $0x4000, s31;
	s1 =	sadd.s32 s1, s30  }
0xba: {  	s0 =	sor.u32 s3, s0;
	s1 =	sshll.u32 s1, $0x11  }
0xbb: {  	s0 =	sor.u32 s1, s0  }
0xbc: {  	s0 =	sadd.s32 $0x8F2B, s0  }
0xbd: {  	[sflag:s0] =	ssyncadd.remote.s32 $0x1  }
0xbe: {  	_ =	sfence.sel $0xFFFF  }
0xbf: {  	[dreg:$0x0] =	wrdreg $0xFFFFFFFF;
	(pc) =	sbr.abs _section_cstart, $3  }
0xc0: {  	[dreg:$0x1] =	wrdreg $0xFFFFFFFF  }
0xc1: {  	_ =	task.clear_ibuf [dreg:s7], $0x2FFFF;
	_ =	strace $0x9FFFFFFF  }
0xc2: {  	(tm) =	ssettm $0x7FFFFFFF  }
0xc3: {  	_ =	shalt  }
tec
execute0_lowered:
.L_overlay_start_1:
0x0: {  	(tag) =	ssettag $0x1  }
0x1: {  	s0 =	srdreg.scid  }
0x2: {  	s4 =	sand.u32 $0x1, s0  }
0x3: {  	s0 =	stileid.u32;
	s1 =	sshll.u32 s4, $0x4  }
0x4: {  	s5 =	sand.u32 $0x3, s0;
	s1 =	sor.u32 s0, s1  }
0x5: {  	s6 =	rddreg [dreg:$0x0];
	p1 =	sne.s32 s5, $0x0;
	p0 =	seq.s32 s1, $0x0  }
0x6: {  	s2 =	simm.s32 $0x1;
	s7 =	rddreg [dreg:$0x1];
	p0 =	por !p1, !p0  }
0x7: {  	s4 =	ssub.s32 $0x2, s4;
	s12 =	sshll.u32 s5, $0xC;
	p0 =	por !p0, !p0  }
0x8: {  	s30 =	sshrl.u32 s4, $0x1;
	s1 =	sshrl.u32 s1, $0x2;
	s2 =	simm.s32 @!p0 $0x0  }
0x9: {  	s5 =	sshll.u32 s5, $0x10;
	s31 =	ssub.s32 s4, s30;
	s2 =	ssub.s32 s1, s2  }
0xa: {  	s1 =	rddreg [dreg:$0x2];
	s8 =	sshrl.u32 s2, $0x3;
	s3 =	sshll.u32 s2, $0x7  }
0xb: {  	s2 =	simm.s32 $0x0;
	s9 =	sand.u32 $0x380, s3;
	s28 =	sshll.u32 s8, $0x13  }
0xc: {  	[smem:$0x7FF] =	sst s2;
	s3 =	simm.s32 $0x1;
	s11 =	sshll.u32 s8, $0xE  }
0xd: {  	s8 =	sshll.u32 s8, $0x12;
	s10 =	sor.u32 s9, s28;
	_ =	strace $0x80000047  }
0xe: {  	s11 =	sor.u32 s12, s11;
	s5 =	sor.u32 s5, s8;
	s8 =	simm.s32 $0x80  }
0xf: {  	s12 =	simm.s32 $0x0;
	s10 =	sshrl.u32 s10, $0x3;
	s11 =	sor.u32 s9, s11  }
0x10: {  	s5 =	sor.u32 s9, s5;
	s10 =	sadd.s32 s10, s6;
	s29 =	sshrl.u32 s11, $0x3  }
0x11: {  	s9 =	sshrl.u32 s5, $0x3;
	s11 =	simm.s32 $0x10200;
	s6 =	sadd.s32 s29, s6  }
0x12: {  	s4 =	sadd.s32 $0xA00, s10;
	s10 =	simm.s32 $0x10000;
	s5 =	sadd.s32 $0x10A00, s6  }
0x13: {  	v0 =	vlaneseq.u32;
	s6 =	sadd.s32 s7, s9;
	s7 =	smax.u32 s31, $0x1;
	s9 =	simm.s32 $0x400  }
.LBB2_1:
0x14: {  	[tilespmem:s2], [sflag:$0x1] =	stream.strided.gather [hbm4b:s4+s8], $0x10000, s9, s8, $0x38;
	[tilespmem:$0x12200] =	vst v63  }
0x15: {  	_ =	swait.ge [sflag:s3], $0x10000  }
0x16: {  	[sflag:s3] =	ssyncset.done $0x0  }
0x17: {  	v1 =	vmov s2;
	[sflag:s3] =	ssyncadd.s32 $0xFFFF0000  }
0x18: {  	[tilespmem:s10], [sflag:$0x1] =	stream.strided.gather [hbm4b:s5+s8], $0x200, s9, s8, $0x38;
	[tilespmem:$0x12200] =	vst v63  }
0x19: {  	_ =	swait.ge [sflag:s3], $0x200  }
0x1a: {  	[sflag:s3] =	ssyncset.done $0x0  }
0x1b: {  	[sflag:s3] =	ssyncadd.s32 $0xFFFFFE00  }
0x1c: {  	v1 =	vld.idx.msk [tilespmem:v1+s10+$0x0], $0xffff;
	_ =	sdelay $0x4  }
0x1d: {  	v1 =	vshll.u32 v1, $0x4  }
0x1e: {  	v1 =	vor.u32 v0, v1;
	_ =	sdelay $0x4  }
0x1f: {  	s13 =	simm.s32 $0x1;
	v1 =	vld.idx.msk [tilespmem:v1+s2+$0x0], $0xffff  }
0x20: {  	v2 =	vmov s13;
	_ =	sdelay $0x3  }
0x21: {  	[tilespmem:s11+$0x0] =	vst v1  }
0x22: {  	v1 =	vld.idx.msk [tilespmem:v2+s10+$0x0], $0xffff;
	_ =	sdelay $0x4  }
0x23: {  	v1 =	vshll.u32 v1, $0x4  }
0x24: {  	v1 =	vor.u32 v0, v1;
	_ =	sdelay $0x4  }
0x25: {  	s31 =	simm.s32 $0x2;
	v1 =	vld.idx.msk [tilespmem:v1+s2+$0x0], $0xffff  }
0x26: {  	s14 =	simm.s32 $0x3;
	s13 =	simm.s32 $0x10200;
	v2 =	vmov s31  }
.LBB2_2:
0x27: {  	p0 =	sne.s32 s14, $0x1FF;
	_ =	sdelay $0x1  }
0x28: {  	s13 =	sadd.s32 $0x10, s13  }
0x29: {  	[tilespmem:s13+$0x0] =	vst v1  }
0x2a: {  	v1 =	vld.idx.msk [tilespmem:v2+s10+$0x0], $0xffff;
	_ =	sdelay $0x5  }
0x2b: {  	v1 =	vshll.u32 v1, $0x4  }
0x2c: {  	v1 =	vor.u32 v0, v1;
	_ =	sdelay $0x2  }
.Ltmp0:
0x2d: {  	(pc) =	sbr.rel @p0 .LBB2_2-.Ltmp0, $3  }
0x2e: {  	_ = 	snop  }
0x2f: {  	v1 =	vld.idx.msk [tilespmem:v1+s2+$0x0], $0xffff;
	_ =	sdelay $0x1  }
0x30: {  	v2 =	vmov s14;
	s14 =	sadd.s32 $0x1, s14  }
0x31: {  	_ =	sdelay $0x1  }
0x32: {  	s13 =	sadd.s32 $0x10, s13  }
0x33: {  	[tilespmem:s13+$0x0] =	vst v1  }
0x34: {  	v1 =	vld.idx.msk [tilespmem:v2+s10+$0x0], $0xffff;
	_ =	sdelay $0x4  }
0x35: {  	v1 =	vshll.u32 v1, $0x4  }
0x36: {  	v1 =	vor.u32 v0, v1;
	_ =	sdelay $0x4  }
0x37: {  	v1 =	vld.idx.msk [tilespmem:v1+s2+$0x0], $0xffff;
	_ =	sdelay $0x2  }
0x38: {  	s12 =	sadd.s32 $0x1, s12  }
0x39: {  	p0 =	sne.s32 s12, s7;
	s13 =	sadd.s32 $0x10, s13  }
.Ltmp1:
0x3a: {  	[tilespmem:s13+$0x0] =	vst v1;
	(pc) =	sbr.rel @p0 .LBB2_1-.Ltmp1, $4  }
0x3b: {  	[hbm4b:s6+s8] =	stream.strided.scatter [tilespmem:s11], [sflag:$0x1], $0x2000, s9, s8, $0x38;
	[tilespmem:$0x12200] =	vst v63  }
0x3c: {  	_ =	swait.ge [sflag:s3], $0x2000  }
0x3d: {  	[sflag:s3] =	ssyncset.done $0x0  }
0x3e: {  	[sflag:s3] =	ssyncadd.s32 $0xFFFFE000  }
0x3f: {  	_ =	sfence.sel $0x180000  }
0x40: {  	[bflag:$0x0] =	sbarrier.arrive $0xFFFF  }
0x41: {  	p0 =	sne.s32 s0, $0x0;
	_ =	strace $0x90000047  }
0x42: {  	s0 =	sadd.s32 @!p0 $0x100000, s1;
	[bflag:$0x2] =	sbarrier.arrive $0xFFFF  }
0x43: {  	[sflag:s0] =	ssyncadd.tile.s32 @!p0 $0x1;
	_ =	shalt  }
.Lfunc_end2:
_tile_overlayer_lowered:
.L_overlay_start_2:
0x44: {  	(tag) =	ssettag $0x2  }
0x45: {  	s0 =	rddreg [dreg:$0x0];
	s2 =	stileid.u32  }
0x46: {  	s1 =	rddreg [dreg:$0x1];
	p0 =	sne.s32 s2, $0x0  }
0x47: {  	s3 =	rddreg [dreg:$0x2];
	[bflag:$0x3] =	sbarrier.arrive $0xFFFF;
	s2 =	simm.s32 @!p0 $0x1C02  }
0x48: {  	[timem:s3], [sflag:s2] =	dma.local @!p0 [hbm:s0], s1  }
0x49: {  	s0 =	simm.s32 @!p0 $0x2  }
0x4a: {  	_ =	swait.ge @!p0 [sflag:s0], s1  }
0x4b: {  	s1 =	ssub.s32 @!p0 $0x0, s1;
	[sflag:s0] =	ssyncset.done @!p0 $0x0  }
0x4c: {  	[sflag:s0] =	ssyncadd.s32 @!p0 s1  }
0x4d: {  	[bflag:$0x3] =	sbarrier.arrive $0xFFFF  }
0x4e: {  	_ =	shalt  }

</sc_bundles>
